<compile_context>
chip_gen: v7x
topology: tpu7x:2x2x1
jax: 0.10.2.dev20260603
libtpu: 0.0.44.dev20260713+nightly
codegen_flags: <defaults>
</compile_context>

<pallas_src>
import jax
import jax.numpy as jnp
from jax import lax
from jax.experimental import pallas as pl
from jax.experimental.pallas import tpu as pltpu
from jax.experimental.pallas import tpu_sc as plsc

NC = 2
NS = 16
NW = NC * NS

BATCH = 16384
SEQ = 50
DIM = 64
BPW = BATCH // NW
CB = 256
CPS = BPW // CB
NCHUNK = SEQ * CPS
TCOL = CB + 1


def _body(xt_hbm, table_hbm, out_hbm, idx_all, rows, trows, gsem, ssem, isem):
    wid = lax.axis_index("s") * NC + lax.axis_index("c")
    col0 = wid * BPW

    pltpu.async_copy(xt_hbm.at[:, pl.ds(col0, BPW)], idx_all, isem).wait()

    lanes = lax.iota(jnp.int32, 16)

    def gather_start(c, b):
        t = c // CPS
        half = c % CPS
        src = table_hbm.at[idx_all.at[t, pl.ds(half * CB, CB)]]
        pltpu.async_copy(src, rows.at[b], gsem.at[b])

    def gather_wait(b):
        pltpu.make_async_copy(table_hbm.at[idx_all.at[0, pl.ds(0, CB)]],
                              rows.at[b], gsem.at[b]).wait()

    def store_start(c, b):
        t = c // CPS
        half = c % CPS
        dst = out_hbm.at[t, :, pl.ds(col0 + half * CB, CB)]
        pltpu.async_copy(trows.at[b, :, pl.ds(0, CB)], dst, ssem.at[b])

    def store_wait(b):
        pltpu.make_async_copy(trows.at[b, :, pl.ds(0, CB)],
                              out_hbm.at[0, :, pl.ds(0, CB)],
                              ssem.at[b]).wait()

    def transpose(b):
        t2 = trows.at[b]

        @plsc.parallel_loop(0, CB, unroll=2)
        def token(tk):
            cidx = tk + jnp.zeros((16,), jnp.int32)
            for dv in range(DIM // 16):
                v = rows[b, tk, pl.ds(dv * 16, 16)]
                plsc.store_scatter(t2, [dv * 16 + lanes, cidx], v)

    gather_start(0, 0)
    gather_start(1, 1)

    def step(c, carry):
        b = c % 2
        gather_wait(b)

        @pl.when(c >= 2)
        def _():
            store_wait(b)

        transpose(b)
        store_start(c, b)

        @pl.when(c + 2 < NCHUNK)
        def _():
            gather_start(c + 2, b)
        return carry

    lax.fori_loop(0, NCHUNK, step, 0)

    store_wait(0)
    store_wait(1)


@jax.jit
def _embedding_lookup(xt, table):
    mesh = plsc.VectorSubcoreMesh(core_axis_name="c", subcore_axis_name="s")
    return pl.kernel(
        _body,
        out_type=jax.ShapeDtypeStruct((SEQ, DIM, BATCH), jnp.float32),
        mesh=mesh,
        scratch_types=[
            pltpu.VMEM((SEQ, BPW), jnp.int32),
            pltpu.VMEM((2, CB, DIM), jnp.float32),
            pltpu.VMEM((2, DIM, TCOL), jnp.float32),
            pltpu.SemaphoreType.DMA((2,)),
            pltpu.SemaphoreType.DMA((2,)),
            pltpu.SemaphoreType.DMA,
        ],
        compiler_params=pltpu.CompilerParams(use_tc_tiling_on_sc=False,
                                             needs_layout_passes=False),
    )(xt, table)


def kernel(x, table):
    out = _embedding_lookup(x.T.astype(jnp.int32), table)
    return jnp.transpose(out, (2, 0, 1))

# --- scband reference (transcript-rebuilt; emitter-appended) ---
"""Pipeline reference for scband-embedding-33217277067426 (READ-ONLY COPY).

The authoritative reference and input builder live on the scoring server;
editing this copy changes nothing except your own understanding.
"""

import jax, jax.numpy as jnp
import numpy as np

VOCAB = 1000000
DIM = 64

def setup_inputs(seed: int = 0) -> dict:
    key = jax.random.key(seed)
    k1, k2 = jax.random.split(key)
    x = jax.random.randint(k1, (16384, 50), 0, VOCAB, dtype=jnp.int64 if jax.config.jax_enable_x64 else jnp.int32)
    table = jax.random.normal(k2, (VOCAB, DIM), dtype=jnp.float32)
    return {"x": x, "table": table}

def reference(x, table):
    # nn.Embedding forward: row gather from the embedding table
    return jnp.take(table, x, axis=0)

if __name__ == "__main__":
    import jax
    _d = setup_inputs()
    print(jax.jit(kernel)(*tuple(_d.values())))

</pallas_src>

<mosaic_0001>
#map = affine_map<(d0, d1) -> (0, 0)>
#map1 = affine_map<(d0, d1) -> (0, 0, 0)>
module attributes {stable_mosaic.version = 14 : i64} {
  func.func @_body(%arg0: i32, %arg1: i32, %arg2: memref<50x16384xi32, #tpu.memory_space<hbm>>, %arg3: memref<1000000x64xf32, #tpu.memory_space<hbm>>, %arg4: memref<50x64x16384xf32, #tpu.memory_space<hbm>>, %arg5: memref<50x512xi32, #tpu.memory_space<vmem>>, %arg6: memref<2x256x64xf32, #tpu.memory_space<vmem>>, %arg7: memref<2x64x257xf32, #tpu.memory_space<vmem>>, %arg8: memref<2x!tpu.dma_semaphore, #tpu.memory_space<semaphore_mem>>, %arg9: memref<2x!tpu.dma_semaphore, #tpu.memory_space<semaphore_mem>>, %arg10: memref<!tpu.dma_semaphore, #tpu.memory_space<semaphore_mem>>) attributes {dimension_semantics = [#tpu.dimension_semantics<core_parallel>, #tpu.dimension_semantics<subcore_parallel>], iteration_bounds = array<i64: 2, 16>, scalar_prefetch = 0 : i64, scratch_operands = 6 : i64, tpu.core_type = #tpu.core_type<sc_vector_subcore>, window_params = [{transform_indices = #map}, {transform_indices = #map}, {transform_indices = #map1}]} {
    %mul3A = arith.constant 2 : i32
    %mul3A_0 = arith.muli %arg1, %mul3A : i32
    %add3A = arith.addi %mul3A_0, %arg0 : i32
    %mul3A_1 = arith.constant 512 : i32
    %mul3A_2 = arith.muli %add3A, %mul3A_1 : i32
    %dma_start3A = arith.constant 0 : i32
    %dma_start3A_3 = tpu.memref_slice %arg2[%dma_start3A, %mul3A_2] : memref<50x16384xi32, #tpu.memory_space<hbm>> -> memref<50x512xi32, #tpu.memory_space<hbm>>
    %dma_start3A_4 = arith.constant 0 : i32
    %dma_start3A_5 = tpu.memref_slice %arg2[%dma_start3A_4, %mul3A_2] : memref<50x16384xi32, #tpu.memory_space<hbm>> -> memref<50x512xi32, #tpu.memory_space<hbm>>
    tpu.enqueue_dma source(%dma_start3A_5 : memref<50x512xi32, #tpu.memory_space<hbm>>) target(%arg5 : memref<50x512xi32, #tpu.memory_space<vmem>>) target_semaphore(%arg10 : memref<!tpu.dma_semaphore, #tpu.memory_space<semaphore_mem>>)
    %dma_wait3A = arith.constant 0 : i32
    %dma_wait3A_6 = tpu.memref_slice %arg2[%dma_wait3A, %mul3A_2] : memref<50x16384xi32, #tpu.memory_space<hbm>> -> memref<50x512xi32, #tpu.memory_space<hbm>>
    %dma_wait3A_7 = arith.constant 0 : i32
    %dma_wait3A_8 = tpu.memref_slice %arg2[%dma_wait3A_7, %mul3A_2] : memref<50x16384xi32, #tpu.memory_space<hbm>> -> memref<50x512xi32, #tpu.memory_space<hbm>>
    tpu.wait_dma2 semaphore(%arg10 : memref<!tpu.dma_semaphore, #tpu.memory_space<semaphore_mem>>) src(%dma_wait3A_8 : memref<50x512xi32, #tpu.memory_space<hbm>>) dst(%arg5 : memref<50x512xi32, #tpu.memory_space<vmem>>)
    %iota3A = tpu.iota {dimensions = array<i32: 0>} : vector<16xi32>
    %dma_start3A_9 = arith.constant 0 : i32
    %dma_start3A_10 = arith.constant 0 : i32
    %dma_start3A_11 = arith.constant 0 : i32
    %dma_start3A_12 = arith.constant 0 : i32
    %dma_start3A_13 = arith.constant 0 : i32
    %dma_start3A_14 = tpu.memref_slice %arg6[%dma_start3A_10, %dma_start3A_12, %dma_start3A_13] : memref<2x256x64xf32, #tpu.memory_space<vmem>> -> memref<1x256x64xf32, #tpu.memory_space<vmem>>
    %dma_start3A_15 = tpu.memref_squeeze %dma_start3A_14 : memref<1x256x64xf32, #tpu.memory_space<vmem>> -> memref<256x64xf32, #tpu.memory_space<vmem>>
    %dma_start3A_16 = arith.constant 0 : i32
    %dma_start3A_17 = tpu.memref_slice %arg5[%dma_start3A_9, %dma_start3A_16] : memref<50x512xi32, #tpu.memory_space<vmem>> -> memref<1x256xi32, #tpu.memory_space<vmem>>
    %dma_start3A_18 = tpu.memref_squeeze %dma_start3A_17 : memref<1x256xi32, #tpu.memory_space<vmem>> -> memref<256xi32, #tpu.memory_space<vmem>>
    %dma_start3A_19 = arith.constant 0 : i32
    %dma_start3A_20 = arith.constant 0 : i32
    %dma_start3A_21 = tpu.memref_slice %arg3[%dma_start3A_19, %dma_start3A_20] : memref<1000000x64xf32, #tpu.memory_space<hbm>> -> memref<1000000x64xf32, #tpu.memory_space<hbm>>
    %dma_start3A_22 = tpu.memref_slice %arg8[%dma_start3A_11] : memref<2x!tpu.dma_semaphore, #tpu.memory_space<semaphore_mem>> -> memref<1x!tpu.dma_semaphore, #tpu.memory_space<semaphore_mem>>
    %dma_start3A_23 = tpu.memref_squeeze %dma_start3A_22 : memref<1x!tpu.dma_semaphore, #tpu.memory_space<semaphore_mem>> -> memref<!tpu.dma_semaphore, #tpu.memory_space<semaphore_mem>>
    tpu.enqueue_indirect_dma source(%dma_start3A_21 : memref<1000000x64xf32, #tpu.memory_space<hbm>>) target(%dma_start3A_15 : memref<256x64xf32, #tpu.memory_space<vmem>>) offsets(%dma_start3A_18 : memref<256xi32, #tpu.memory_space<vmem>>) semaphore(%dma_start3A_23 : memref<!tpu.dma_semaphore, #tpu.memory_space<semaphore_mem>>)
    %dma_start3A_24 = arith.constant 0 : i32
    %dma_start3A_25 = arith.constant 1 : i32
    %dma_start3A_26 = arith.constant 1 : i32
    %dma_start3A_27 = arith.constant 0 : i32
    %dma_start3A_28 = arith.constant 0 : i32
    %dma_start3A_29 = tpu.memref_slice %arg6[%dma_start3A_25, %dma_start3A_27, %dma_start3A_28] : memref<2x256x64xf32, #tpu.memory_space<vmem>> -> memref<1x256x64xf32, #tpu.memory_space<vmem>>
    %dma_start3A_30 = tpu.memref_squeeze %dma_start3A_29 : memref<1x256x64xf32, #tpu.memory_space<vmem>> -> memref<256x64xf32, #tpu.memory_space<vmem>>
    %dma_start3A_31 = arith.constant 256 : i32
    %dma_start3A_32 = tpu.memref_slice %arg5[%dma_start3A_24, %dma_start3A_31] : memref<50x512xi32, #tpu.memory_space<vmem>> -> memref<1x256xi32, #tpu.memory_space<vmem>>
    %dma_start3A_33 = tpu.memref_squeeze %dma_start3A_32 : memref<1x256xi32, #tpu.memory_space<vmem>> -> memref<256xi32, #tpu.memory_space<vmem>>
    %dma_start3A_34 = arith.constant 0 : i32
    %dma_start3A_35 = arith.constant 0 : i32
    %dma_start3A_36 = tpu.memref_slice %arg3[%dma_start3A_34, %dma_start3A_35] : memref<1000000x64xf32, #tpu.memory_space<hbm>> -> memref<1000000x64xf32, #tpu.memory_space<hbm>>
    %dma_start3A_37 = tpu.memref_slice %arg8[%dma_start3A_26] : memref<2x!tpu.dma_semaphore, #tpu.memory_space<semaphore_mem>> -> memref<1x!tpu.dma_semaphore, #tpu.memory_space<semaphore_mem>>
    %dma_start3A_38 = tpu.memref_squeeze %dma_start3A_37 : memref<1x!tpu.dma_semaphore, #tpu.memory_space<semaphore_mem>> -> memref<!tpu.dma_semaphore, #tpu.memory_space<semaphore_mem>>
    tpu.enqueue_indirect_dma source(%dma_start3A_36 : memref<1000000x64xf32, #tpu.memory_space<hbm>>) target(%dma_start3A_30 : memref<256x64xf32, #tpu.memory_space<vmem>>) offsets(%dma_start3A_33 : memref<256xi32, #tpu.memory_space<vmem>>) semaphore(%dma_start3A_38 : memref<!tpu.dma_semaphore, #tpu.memory_space<semaphore_mem>>)
    %scan3A = arith.constant 0 : i32
    %scan3A_39 = arith.constant 0 : i32
    %scan3A_40 = arith.constant 100 : i32
    %scan3A_41 = arith.addi %scan3A_39, %scan3A_40 : i32
    %scan3A_42 = arith.constant 1 : i32
    scf.for %scan3A_86 = %scan3A_39 to %scan3A_41 step %scan3A_42  : i32 {
      %jit3A = arith.constant 2 : i32
      %eq3A = arith.constant 0 : i32
      %eq3A_87 = arith.cmpi eq, %jit3A, %eq3A : i32
      %jit3A_88 = arith.constant 1 : i32
      %select_n3A = arith.select %eq3A_87, %jit3A_88, %jit3A : i32
      %rem3A = arith.remsi %scan3A_86, %select_n3A : i32
      %ne3A = arith.constant 0 : i32
      %ne3A_89 = arith.cmpi ne, %rem3A, %ne3A : i32
      %lt3A = arith.constant 0 : i32
      %lt3A_90 = arith.cmpi slt, %rem3A, %lt3A : i32
      %lt3A_91 = arith.constant 0 : i32
      %lt3A_92 = arith.cmpi slt, %select_n3A, %lt3A_91 : i32
      %ne3A_93 = arith.xori %lt3A_90, %lt3A_92 : i1
      %and3A = arith.andi %ne3A_93, %ne3A_89 : i1
      %add3A_94 = arith.addi %rem3A, %select_n3A : i32
      %select_n3A_95 = arith.select %and3A, %add3A_94, %rem3A : i32
      %dma_wait3A_96 = arith.constant 0 : i32
      %dma_wait3A_97 = arith.constant 0 : i32
      %dma_wait3A_98 = arith.constant 0 : i32
      %dma_wait3A_99 = tpu.memref_slice %arg6[%select_n3A_95, %dma_wait3A_97, %dma_wait3A_98] : memref<2x256x64xf32, #tpu.memory_space<vmem>> -> memref<1x256x64xf32, #tpu.memory_space<vmem>>
      %dma_wait3A_100 = tpu.memref_squeeze %dma_wait3A_99 : memref<1x256x64xf32, #tpu.memory_space<vmem>> -> memref<256x64xf32, #tpu.memory_space<vmem>>
      %dma_wait3A_101 = arith.constant 0 : i32
      %dma_wait3A_102 = tpu.memref_slice %arg5[%dma_wait3A_96, %dma_wait3A_101] : memref<50x512xi32, #tpu.memory_space<vmem>> -> memref<1x256xi32, #tpu.memory_space<vmem>>
      %dma_wait3A_103 = tpu.memref_squeeze %dma_wait3A_102 : memref<1x256xi32, #tpu.memory_space<vmem>> -> memref<256xi32, #tpu.memory_space<vmem>>
      %dma_wait3A_104 = arith.constant 0 : i32
      %dma_wait3A_105 = arith.constant 0 : i32
      %dma_wait3A_106 = tpu.memref_slice %arg3[%dma_wait3A_104, %dma_wait3A_105] : memref<1000000x64xf32, #tpu.memory_space<hbm>> -> memref<1000000x64xf32, #tpu.memory_space<hbm>>
      %dma_wait3A_107 = tpu.memref_slice %arg8[%select_n3A_95] : memref<2x!tpu.dma_semaphore, #tpu.memory_space<semaphore_mem>> -> memref<1x!tpu.dma_semaphore, #tpu.memory_space<semaphore_mem>>
      %dma_wait3A_108 = tpu.memref_squeeze %dma_wait3A_107 : memref<1x!tpu.dma_semaphore, #tpu.memory_space<semaphore_mem>> -> memref<!tpu.dma_semaphore, #tpu.memory_space<semaphore_mem>>
      tpu.wait_indirect_dma semaphore(%dma_wait3A_108 : memref<!tpu.dma_semaphore, #tpu.memory_space<semaphore_mem>>) src(%dma_wait3A_106 : memref<1000000x64xf32, #tpu.memory_space<hbm>>) dst(%dma_wait3A_100 : memref<256x64xf32, #tpu.memory_space<vmem>>)
      %ge3A = arith.constant 2 : i32
      %ge3A_109 = arith.cmpi sge, %scan3A_86, %ge3A : i32
      %convert_element_type3A = arith.extui %ge3A_109 : i1 to i32
      %cond3A = arith.constant 0 : i32
      %cond3A_110 = arith.cmpi ne, %convert_element_type3A, %cond3A : i32
      scf.if %cond3A_110 {
        %dma_wait3A_176 = arith.constant 0 : i32
        %dma_wait3A_177 = arith.constant 0 : i32
        %dma_wait3A_178 = arith.constant 0 : i32
        %dma_wait3A_179 = tpu.memref_slice %arg7[%select_n3A_95, %dma_wait3A_177, %dma_wait3A_178] : memref<2x64x257xf32, #tpu.memory_space<vmem>> -> memref<1x64x256xf32, #tpu.memory_space<vmem>>
        %dma_wait3A_180 = tpu.memref_squeeze %dma_wait3A_179 : memref<1x64x256xf32, #tpu.memory_space<vmem>> -> memref<64x256xf32, #tpu.memory_space<vmem>>
        %dma_wait3A_181 = arith.constant 0 : i32
        %dma_wait3A_182 = arith.constant 0 : i32
        %dma_wait3A_183 = tpu.memref_slice %arg4[%dma_wait3A_176, %dma_wait3A_181, %dma_wait3A_182] : memref<50x64x16384xf32, #tpu.memory_space<hbm>> -> memref<1x64x256xf32, #tpu.memory_space<hbm>>
        %dma_wait3A_184 = tpu.memref_squeeze %dma_wait3A_183 : memref<1x64x256xf32, #tpu.memory_space<hbm>> -> memref<64x256xf32, #tpu.memory_space<hbm>>
        %dma_wait3A_185 = tpu.memref_slice %arg9[%select_n3A_95] : memref<2x!tpu.dma_semaphore, #tpu.memory_space<semaphore_mem>> -> memref<1x!tpu.dma_semaphore, #tpu.memory_space<semaphore_mem>>
        %dma_wait3A_186 = tpu.memref_squeeze %dma_wait3A_185 : memref<1x!tpu.dma_semaphore, #tpu.memory_space<semaphore_mem>> -> memref<!tpu.dma_semaphore, #tpu.memory_space<semaphore_mem>>
        %dma_wait3A_187 = arith.constant 0 : i32
        %dma_wait3A_188 = arith.constant 0 : i32
        %dma_wait3A_189 = tpu.memref_slice %arg4[%dma_wait3A_176, %dma_wait3A_187, %dma_wait3A_188] : memref<50x64x16384xf32, #tpu.memory_space<hbm>> -> memref<1x64x256xf32, #tpu.memory_space<hbm>>
        %dma_wait3A_190 = tpu.memref_squeeze %dma_wait3A_189 : memref<1x64x256xf32, #tpu.memory_space<hbm>> -> memref<64x256xf32, #tpu.memory_space<hbm>>
        %dma_wait3A_191 = arith.constant 0 : i32
        %dma_wait3A_192 = arith.constant 0 : i32
        %dma_wait3A_193 = tpu.memref_slice %arg7[%select_n3A_95, %dma_wait3A_191, %dma_wait3A_192] : memref<2x64x257xf32, #tpu.memory_space<vmem>> -> memref<1x64x256xf32, #tpu.memory_space<vmem>>
        %dma_wait3A_194 = tpu.memref_squeeze %dma_wait3A_193 : memref<1x64x256xf32, #tpu.memory_space<vmem>> -> memref<64x256xf32, #tpu.memory_space<vmem>>
        tpu.wait_dma2 semaphore(%dma_wait3A_186 : memref<!tpu.dma_semaphore, #tpu.memory_space<semaphore_mem>>) src(%dma_wait3A_194 : memref<64x256xf32, #tpu.memory_space<vmem>>) dst(%dma_wait3A_190 : memref<64x256xf32, #tpu.memory_space<hbm>>)
      } else {
      }
      %parallel_loop3A = arith.constant 0 : i32
      %parallel_loop3A_111 = arith.constant 256 : i32
      %parallel_loop3A_112 = arith.constant 1 : i32
      scf.for %parallel_loop3A_176 = %parallel_loop3A to %parallel_loop3A_111 step %parallel_loop3A_112  : i32 {
        %parallel_loop3A_177 = arith.constant 0 : i32
        %parallel_loop3A_178 = vector.broadcast %parallel_loop3A_177 : i32 to vector<16xi32>
        %parallel_loop3A_179 = vector.broadcast %parallel_loop3A_176 : i32 to vector<16xi32>
        %parallel_loop3A_180 = arith.addi %parallel_loop3A_179, %parallel_loop3A_178 : vector<16xi32>
        %parallel_loop3A_181 = arith.index_cast %select_n3A_95 : i32 to index
        %parallel_loop3A_182 = arith.index_cast %parallel_loop3A_176 : i32 to index
        %parallel_loop3A_183 = arith.constant 0 : index
        %parallel_loop3A_184 = tpu.vector_load %arg6[%parallel_loop3A_181, %parallel_loop3A_182, %parallel_loop3A_183] {strides = array<i32>} : memref<2x256x64xf32, #tpu.memory_space<vmem>>, vector<16xf32>,
        %parallel_loop3A_185 = arith.constant 0 : i32
        %parallel_loop3A_186 = vector.broadcast %parallel_loop3A_185 : i32 to vector<16xi32>
        %parallel_loop3A_187 = arith.addi %parallel_loop3A_186, %iota3A : vector<16xi32>
        %parallel_loop3A_188 = arith.constant 0 : i32
        %parallel_loop3A_189 = arith.constant 0 : i32
        %parallel_loop3A_190 = tpu.memref_slice %arg7[%select_n3A_95, %parallel_loop3A_188, %parallel_loop3A_189] : memref<2x64x257xf32, #tpu.memory_space<vmem>> -> memref<1x64x257xf32, #tpu.memory_space<vmem>>
        %parallel_loop3A_191 = tpu.memref_squeeze %parallel_loop3A_190 : memref<1x64x257xf32, #tpu.memory_space<vmem>> -> memref<64x257xf32, #tpu.memory_space<vmem>>
        tpu.vector_store_idx %parallel_loop3A_191[%parallel_loop3A_187, %parallel_loop3A_180], %parallel_loop3A_184 : memref<64x257xf32, #tpu.memory_space<vmem>>[vector<16xi32>, vector<16xi32>], vector<16xf32>,
        %parallel_loop3A_192 = arith.index_cast %select_n3A_95 : i32 to index
        %parallel_loop3A_193 = arith.index_cast %parallel_loop3A_176 : i32 to index
        %parallel_loop3A_194 = arith.constant 16 : index
        %parallel_loop3A_195 = tpu.vector_load %arg6[%parallel_loop3A_192, %parallel_loop3A_193, %parallel_loop3A_194] {strides = array<i32>} : memref<2x256x64xf32, #tpu.memory_space<vmem>>, vector<16xf32>,
        %parallel_loop3A_196 = arith.constant 16 : i32
        %parallel_loop3A_197 = vector.broadcast %parallel_loop3A_196 : i32 to vector<16xi32>
        %parallel_loop3A_198 = arith.addi %parallel_loop3A_197, %iota3A : vector<16xi32>
        %parallel_loop3A_199 = arith.constant 0 : i32
        %parallel_loop3A_200 = arith.constant 0 : i32
        %parallel_loop3A_201 = tpu.memref_slice %arg7[%select_n3A_95, %parallel_loop3A_199, %parallel_loop3A_200] : memref<2x64x257xf32, #tpu.memory_space<vmem>> -> memref<1x64x257xf32, #tpu.memory_space<vmem>>
        %parallel_loop3A_202 = tpu.memref_squeeze %parallel_loop3A_201 : memref<1x64x257xf32, #tpu.memory_space<vmem>> -> memref<64x257xf32, #tpu.memory_space<vmem>>
        tpu.vector_store_idx %parallel_loop3A_202[%parallel_loop3A_198, %parallel_loop3A_180], %parallel_loop3A_195 : memref<64x257xf32, #tpu.memory_space<vmem>>[vector<16xi32>, vector<16xi32>], vector<16xf32>,
        %parallel_loop3A_203 = arith.index_cast %select_n3A_95 : i32 to index
        %parallel_loop3A_204 = arith.index_cast %parallel_loop3A_176 : i32 to index
        %parallel_loop3A_205 = arith.constant 32 : index
        %parallel_loop3A_206 = tpu.vector_load %arg6[%parallel_loop3A_203, %parallel_loop3A_204, %parallel_loop3A_205] {strides = array<i32>} : memref<2x256x64xf32, #tpu.memory_space<vmem>>, vector<16xf32>,
        %parallel_loop3A_207 = arith.constant 32 : i32
        %parallel_loop3A_208 = vector.broadcast %parallel_loop3A_207 : i32 to vector<16xi32>
        %parallel_loop3A_209 = arith.addi %parallel_loop3A_208, %iota3A : vector<16xi32>
        %parallel_loop3A_210 = arith.constant 0 : i32
        %parallel_loop3A_211 = arith.constant 0 : i32
        %parallel_loop3A_212 = tpu.memref_slice %arg7[%select_n3A_95, %parallel_loop3A_210, %parallel_loop3A_211] : memref<2x64x257xf32, #tpu.memory_space<vmem>> -> memref<1x64x257xf32, #tpu.memory_space<vmem>>
        %parallel_loop3A_213 = tpu.memref_squeeze %parallel_loop3A_212 : memref<1x64x257xf32, #tpu.memory_space<vmem>> -> memref<64x257xf32, #tpu.memory_space<vmem>>
        tpu.vector_store_idx %parallel_loop3A_213[%parallel_loop3A_209, %parallel_loop3A_180], %parallel_loop3A_206 : memref<64x257xf32, #tpu.memory_space<vmem>>[vector<16xi32>, vector<16xi32>], vector<16xf32>,
        %parallel_loop3A_214 = arith.index_cast %select_n3A_95 : i32 to index
        %parallel_loop3A_215 = arith.index_cast %parallel_loop3A_176 : i32 to index
        %parallel_loop3A_216 = arith.constant 48 : index
        %parallel_loop3A_217 = tpu.vector_load %arg6[%parallel_loop3A_214, %parallel_loop3A_215, %parallel_loop3A_216] {strides = array<i32>} : memref<2x256x64xf32, #tpu.memory_space<vmem>>, vector<16xf32>,
        %parallel_loop3A_218 = arith.constant 48 : i32
        %parallel_loop3A_219 = vector.broadcast %parallel_loop3A_218 : i32 to vector<16xi32>
        %parallel_loop3A_220 = arith.addi %parallel_loop3A_219, %iota3A : vector<16xi32>
        %parallel_loop3A_221 = arith.constant 0 : i32
        %parallel_loop3A_222 = arith.constant 0 : i32
        %parallel_loop3A_223 = tpu.memref_slice %arg7[%select_n3A_95, %parallel_loop3A_221, %parallel_loop3A_222] : memref<2x64x257xf32, #tpu.memory_space<vmem>> -> memref<1x64x257xf32, #tpu.memory_space<vmem>>
        %parallel_loop3A_224 = tpu.memref_squeeze %parallel_loop3A_223 : memref<1x64x257xf32, #tpu.memory_space<vmem>> -> memref<64x257xf32, #tpu.memory_space<vmem>>
        tpu.vector_store_idx %parallel_loop3A_224[%parallel_loop3A_220, %parallel_loop3A_180], %parallel_loop3A_217 : memref<64x257xf32, #tpu.memory_space<vmem>>[vector<16xi32>, vector<16xi32>], vector<16xf32>,
      } {sc.loop_unroll_factor = 2 : i64, sc.parallel_access}
      %jit3A_113 = arith.constant 2 : i32
      %div3A = arith.divsi %scan3A_86, %jit3A_113 : i32
      %sign3A = arith.constant 0 : i32
      %sign3A_114 = arith.cmpi sgt, %scan3A_86, %sign3A : i32
      %sign3A_115 = arith.extui %sign3A_114 : i1 to i32
      %sign3A_116 = arith.constant 0 : i32
      %sign3A_117 = arith.cmpi slt, %scan3A_86, %sign3A_116 : i32
      %sign3A_118 = arith.extui %sign3A_117 : i1 to i32
      %sign3A_119 = arith.subi %sign3A_115, %sign3A_118 : i32
      %sign3A_120 = arith.constant 0 : i32
      %sign3A_121 = arith.cmpi sgt, %jit3A_113, %sign3A_120 : i32
      %sign3A_122 = arith.extui %sign3A_121 : i1 to i32
      %sign3A_123 = arith.constant 0 : i32
      %sign3A_124 = arith.cmpi slt, %jit3A_113, %sign3A_123 : i32
      %sign3A_125 = arith.extui %sign3A_124 : i1 to i32
      %sign3A_126 = arith.subi %sign3A_122, %sign3A_125 : i32
      %ne3A_127 = arith.cmpi ne, %sign3A_119, %sign3A_126 : i32
      %rem3A_128 = arith.remsi %scan3A_86, %jit3A_113 : i32
      %ne3A_129 = arith.constant 0 : i32
      %ne3A_130 = arith.cmpi ne, %rem3A_128, %ne3A_129 : i32
      %and3A_131 = arith.andi %ne3A_127, %ne3A_130 : i1
      %sub3A = arith.constant 1 : i32
      %sub3A_132 = arith.subi %div3A, %sub3A : i32
      %select_n3A_133 = arith.select %and3A_131, %sub3A_132, %div3A : i32
      %jit3A_134 = arith.constant 2 : i32
      %eq3A_135 = arith.constant 0 : i32
      %eq3A_136 = arith.cmpi eq, %jit3A_134, %eq3A_135 : i32
      %jit3A_137 = arith.constant 1 : i32
      %select_n3A_138 = arith.select %eq3A_136, %jit3A_137, %jit3A_134 : i32
      %rem3A_139 = arith.remsi %scan3A_86, %select_n3A_138 : i32
      %ne3A_140 = arith.constant 0 : i32
      %ne3A_141 = arith.cmpi ne, %rem3A_139, %ne3A_140 : i32
      %lt3A_142 = arith.constant 0 : i32
      %lt3A_143 = arith.cmpi slt, %rem3A_139, %lt3A_142 : i32
      %lt3A_144 = arith.constant 0 : i32
      %lt3A_145 = arith.cmpi slt, %select_n3A_138, %lt3A_144 : i32
      %ne3A_146 = arith.xori %lt3A_143, %lt3A_145 : i1
      %and3A_147 = arith.andi %ne3A_146, %ne3A_141 : i1
      %add3A_148 = arith.addi %rem3A_139, %select_n3A_138 : i32
      %select_n3A_149 = arith.select %and3A_147, %add3A_148, %rem3A_139 : i32
      %mul3A_150 = arith.constant 256 : i32
      %mul3A_151 = arith.muli %select_n3A_149, %mul3A_150 : i32
      %add3A_152 = arith.addi %mul3A_2, %mul3A_151 : i32
      %dma_start3A_153 = arith.constant 0 : i32
      %dma_start3A_154 = arith.constant 0 : i32
      %dma_start3A_155 = tpu.memref_slice %arg7[%select_n3A_95, %dma_start3A_153, %dma_start3A_154] : memref<2x64x257xf32, #tpu.memory_space<vmem>> -> memref<1x64x256xf32, #tpu.memory_space<vmem>>
      %dma_start3A_156 = tpu.memref_squeeze %dma_start3A_155 : memref<1x64x256xf32, #tpu.memory_space<vmem>> -> memref<64x256xf32, #tpu.memory_space<vmem>>
      %dma_start3A_157 = arith.constant 0 : i32
      %dma_start3A_158 = tpu.memref_slice %arg4[%select_n3A_133, %dma_start3A_157, %add3A_152] : memref<50x64x16384xf32, #tpu.memory_space<hbm>> -> memref<1x64x256xf32, #tpu.memory_space<hbm>>
      %dma_start3A_159 = tpu.memref_squeeze %dma_start3A_158 : memref<1x64x256xf32, #tpu.memory_space<hbm>> -> memref<64x256xf32, #tpu.memory_space<hbm>>
      %dma_start3A_160 = tpu.memref_slice %arg9[%select_n3A_95] : memref<2x!tpu.dma_semaphore, #tpu.memory_space<semaphore_mem>> -> memref<1x!tpu.dma_semaphore, #tpu.memory_space<semaphore_mem>>
      %dma_start3A_161 = tpu.memref_squeeze %dma_start3A_160 : memref<1x!tpu.dma_semaphore, #tpu.memory_space<semaphore_mem>> -> memref<!tpu.dma_semaphore, #tpu.memory_space<semaphore_mem>>
      %dma_start3A_162 = arith.constant 0 : i32
      %dma_start3A_163 = tpu.memref_slice %arg4[%select_n3A_133, %dma_start3A_162, %add3A_152] : memref<50x64x16384xf32, #tpu.memory_space<hbm>> -> memref<1x64x256xf32, #tpu.memory_space<hbm>>
      %dma_start3A_164 = tpu.memref_squeeze %dma_start3A_163 : memref<1x64x256xf32, #tpu.memory_space<hbm>> -> memref<64x256xf32, #tpu.memory_space<hbm>>
      %dma_start3A_165 = arith.constant 0 : i32
      %dma_start3A_166 = arith.constant 0 : i32
      %dma_start3A_167 = tpu.memref_slice %arg7[%select_n3A_95, %dma_start3A_165, %dma_start3A_166] : memref<2x64x257xf32, #tpu.memory_space<vmem>> -> memref<1x64x256xf32, #tpu.memory_space<vmem>>
      %dma_start3A_168 = tpu.memref_squeeze %dma_start3A_167 : memref<1x64x256xf32, #tpu.memory_space<vmem>> -> memref<64x256xf32, #tpu.memory_space<vmem>>
      tpu.enqueue_dma source(%dma_start3A_168 : memref<64x256xf32, #tpu.memory_space<vmem>>) target(%dma_start3A_164 : memref<64x256xf32, #tpu.memory_space<hbm>>) target_semaphore(%dma_start3A_161 : memref<!tpu.dma_semaphore, #tpu.memory_space<semaphore_mem>>)
      %add3A_169 = arith.constant 2 : i32
      %add3A_170 = arith.addi %scan3A_86, %add3A_169 : i32
      %lt3A_171 = arith.constant 100 : i32
      %lt3A_172 = arith.cmpi slt, %add3A_170, %lt3A_171 : i32
      %convert_element_type3A_173 = arith.extui %lt3A_172 : i1 to i32
      %cond3A_174 = arith.constant 0 : i32
      %cond3A_175 = arith.cmpi ne, %convert_element_type3A_173, %cond3A_174 : i32
      scf.if %cond3A_175 {
        %add3A_176 = arith.constant 2 : i32
        %add3A_177 = arith.addi %scan3A_86, %add3A_176 : i32
        %jit3A_178 = arith.constant 2 : i32
        %div3A_179 = arith.divsi %add3A_177, %jit3A_178 : i32
        %sign3A_180 = arith.constant 0 : i32
        %sign3A_181 = arith.cmpi sgt, %add3A_177, %sign3A_180 : i32
        %sign3A_182 = arith.extui %sign3A_181 : i1 to i32
        %sign3A_183 = arith.constant 0 : i32
        %sign3A_184 = arith.cmpi slt, %add3A_177, %sign3A_183 : i32
        %sign3A_185 = arith.extui %sign3A_184 : i1 to i32
        %sign3A_186 = arith.subi %sign3A_182, %sign3A_185 : i32
        %sign3A_187 = arith.constant 0 : i32
        %sign3A_188 = arith.cmpi sgt, %jit3A_178, %sign3A_187 : i32
        %sign3A_189 = arith.extui %sign3A_188 : i1 to i32
        %sign3A_190 = arith.constant 0 : i32
        %sign3A_191 = arith.cmpi slt, %jit3A_178, %sign3A_190 : i32
        %sign3A_192 = arith.extui %sign3A_191 : i1 to i32
        %sign3A_193 = arith.subi %sign3A_189, %sign3A_192 : i32
        %ne3A_194 = arith.cmpi ne, %sign3A_186, %sign3A_193 : i32
        %rem3A_195 = arith.remsi %add3A_177, %jit3A_178 : i32
        %ne3A_196 = arith.constant 0 : i32
        %ne3A_197 = arith.cmpi ne, %rem3A_195, %ne3A_196 : i32
        %and3A_198 = arith.andi %ne3A_194, %ne3A_197 : i1
        %sub3A_199 = arith.constant 1 : i32
        %sub3A_200 = arith.subi %div3A_179, %sub3A_199 : i32
        %select_n3A_201 = arith.select %and3A_198, %sub3A_200, %div3A_179 : i32
        %jit3A_202 = arith.constant 2 : i32
        %eq3A_203 = arith.constant 0 : i32
        %eq3A_204 = arith.cmpi eq, %jit3A_202, %eq3A_203 : i32
        %jit3A_205 = arith.constant 1 : i32
        %select_n3A_206 = arith.select %eq3A_204, %jit3A_205, %jit3A_202 : i32
        %rem3A_207 = arith.remsi %add3A_177, %select_n3A_206 : i32
        %ne3A_208 = arith.constant 0 : i32
        %ne3A_209 = arith.cmpi ne, %rem3A_207, %ne3A_208 : i32
        %lt3A_210 = arith.constant 0 : i32
        %lt3A_211 = arith.cmpi slt, %rem3A_207, %lt3A_210 : i32
        %lt3A_212 = arith.constant 0 : i32
        %lt3A_213 = arith.cmpi slt, %select_n3A_206, %lt3A_212 : i32
        %ne3A_214 = arith.xori %lt3A_211, %lt3A_213 : i1
        %and3A_215 = arith.andi %ne3A_214, %ne3A_209 : i1
        %add3A_216 = arith.addi %rem3A_207, %select_n3A_206 : i32
        %select_n3A_217 = arith.select %and3A_215, %add3A_216, %rem3A_207 : i32
        %mul3A_218 = arith.constant 256 : i32
        %mul3A_219 = arith.muli %select_n3A_217, %mul3A_218 : i32
        %dma_start3A_220 = arith.constant 0 : i32
        %dma_start3A_221 = arith.constant 0 : i32
        %dma_start3A_222 = tpu.memref_slice %arg6[%select_n3A_95, %dma_start3A_220, %dma_start3A_221] : memref<2x256x64xf32, #tpu.memory_space<vmem>> -> memref<1x256x64xf32, #tpu.memory_space<vmem>>
        %dma_start3A_223 = tpu.memref_squeeze %dma_start3A_222 : memref<1x256x64xf32, #tpu.memory_space<vmem>> -> memref<256x64xf32, #tpu.memory_space<vmem>>
        %dma_start3A_224 = tpu.memref_slice %arg5[%select_n3A_201, %mul3A_219] : memref<50x512xi32, #tpu.memory_space<vmem>> -> memref<1x256xi32, #tpu.memory_space<vmem>>
        %dma_start3A_225 = tpu.memref_squeeze %dma_start3A_224 : memref<1x256xi32, #tpu.memory_space<vmem>> -> memref<256xi32, #tpu.memory_space<vmem>>
        %dma_start3A_226 = arith.constant 0 : i32
        %dma_start3A_227 = arith.constant 0 : i32
        %dma_start3A_228 = tpu.memref_slice %arg3[%dma_start3A_226, %dma_start3A_227] : memref<1000000x64xf32, #tpu.memory_space<hbm>> -> memref<1000000x64xf32, #tpu.memory_space<hbm>>
        %dma_start3A_229 = tpu.memref_slice %arg8[%select_n3A_95] : memref<2x!tpu.dma_semaphore, #tpu.memory_space<semaphore_mem>> -> memref<1x!tpu.dma_semaphore, #tpu.memory_space<semaphore_mem>>
        %dma_start3A_230 = tpu.memref_squeeze %dma_start3A_229 : memref<1x!tpu.dma_semaphore, #tpu.memory_space<semaphore_mem>> -> memref<!tpu.dma_semaphore, #tpu.memory_space<semaphore_mem>>
        tpu.enqueue_indirect_dma source(%dma_start3A_228 : memref<1000000x64xf32, #tpu.memory_space<hbm>>) target(%dma_start3A_223 : memref<256x64xf32, #tpu.memory_space<vmem>>) offsets(%dma_start3A_225 : memref<256xi32, #tpu.memory_space<vmem>>) semaphore(%dma_start3A_230 : memref<!tpu.dma_semaphore, #tpu.memory_space<semaphore_mem>>)
      } else {
      }
    }
    %scan3A_43 = arith.constant 100 : i32
    %dma_wait3A_44 = arith.constant 0 : i32
    %dma_wait3A_45 = arith.constant 0 : i32
    %dma_wait3A_46 = arith.constant 0 : i32
    %dma_wait3A_47 = arith.constant 0 : i32
    %dma_wait3A_48 = arith.constant 0 : i32
    %dma_wait3A_49 = tpu.memref_slice %arg7[%dma_wait3A_44, %dma_wait3A_47, %dma_wait3A_48] : memref<2x64x257xf32, #tpu.memory_space<vmem>> -> memref<1x64x256xf32, #tpu.memory_space<vmem>>
    %dma_wait3A_50 = tpu.memref_squeeze %dma_wait3A_49 : memref<1x64x256xf32, #tpu.memory_space<vmem>> -> memref<64x256xf32, #tpu.memory_space<vmem>>
    %dma_wait3A_51 = arith.constant 0 : i32
    %dma_wait3A_52 = arith.constant 0 : i32
    %dma_wait3A_53 = tpu.memref_slice %arg4[%dma_wait3A_45, %dma_wait3A_51, %dma_wait3A_52] : memref<50x64x16384xf32, #tpu.memory_space<hbm>> -> memref<1x64x256xf32, #tpu.memory_space<hbm>>
    %dma_wait3A_54 = tpu.memref_squeeze %dma_wait3A_53 : memref<1x64x256xf32, #tpu.memory_space<hbm>> -> memref<64x256xf32, #tpu.memory_space<hbm>>
    %dma_wait3A_55 = tpu.memref_slice %arg9[%dma_wait3A_46] : memref<2x!tpu.dma_semaphore, #tpu.memory_space<semaphore_mem>> -> memref<1x!tpu.dma_semaphore, #tpu.memory_space<semaphore_mem>>
    %dma_wait3A_56 = tpu.memref_squeeze %dma_wait3A_55 : memref<1x!tpu.dma_semaphore, #tpu.memory_space<semaphore_mem>> -> memref<!tpu.dma_semaphore, #tpu.memory_space<semaphore_mem>>
    %dma_wait3A_57 = arith.constant 0 : i32
    %dma_wait3A_58 = arith.constant 0 : i32
    %dma_wait3A_59 = tpu.memref_slice %arg4[%dma_wait3A_45, %dma_wait3A_57, %dma_wait3A_58] : memref<50x64x16384xf32, #tpu.memory_space<hbm>> -> memref<1x64x256xf32, #tpu.memory_space<hbm>>
    %dma_wait3A_60 = tpu.memref_squeeze %dma_wait3A_59 : memref<1x64x256xf32, #tpu.memory_space<hbm>> -> memref<64x256xf32, #tpu.memory_space<hbm>>
    %dma_wait3A_61 = arith.constant 0 : i32
    %dma_wait3A_62 = arith.constant 0 : i32
    %dma_wait3A_63 = tpu.memref_slice %arg7[%dma_wait3A_44, %dma_wait3A_61, %dma_wait3A_62] : memref<2x64x257xf32, #tpu.memory_space<vmem>> -> memref<1x64x256xf32, #tpu.memory_space<vmem>>
    %dma_wait3A_64 = tpu.memref_squeeze %dma_wait3A_63 : memref<1x64x256xf32, #tpu.memory_space<vmem>> -> memref<64x256xf32, #tpu.memory_space<vmem>>
    tpu.wait_dma2 semaphore(%dma_wait3A_56 : memref<!tpu.dma_semaphore, #tpu.memory_space<semaphore_mem>>) src(%dma_wait3A_64 : memref<64x256xf32, #tpu.memory_space<vmem>>) dst(%dma_wait3A_60 : memref<64x256xf32, #tpu.memory_space<hbm>>)
    %dma_wait3A_65 = arith.constant 1 : i32
    %dma_wait3A_66 = arith.constant 0 : i32
    %dma_wait3A_67 = arith.constant 1 : i32
    %dma_wait3A_68 = arith.constant 0 : i32
    %dma_wait3A_69 = arith.constant 0 : i32
    %dma_wait3A_70 = tpu.memref_slice %arg7[%dma_wait3A_65, %dma_wait3A_68, %dma_wait3A_69] : memref<2x64x257xf32, #tpu.memory_space<vmem>> -> memref<1x64x256xf32, #tpu.memory_space<vmem>>
    %dma_wait3A_71 = tpu.memref_squeeze %dma_wait3A_70 : memref<1x64x256xf32, #tpu.memory_space<vmem>> -> memref<64x256xf32, #tpu.memory_space<vmem>>
    %dma_wait3A_72 = arith.constant 0 : i32
    %dma_wait3A_73 = arith.constant 0 : i32
    %dma_wait3A_74 = tpu.memref_slice %arg4[%dma_wait3A_66, %dma_wait3A_72, %dma_wait3A_73] : memref<50x64x16384xf32, #tpu.memory_space<hbm>> -> memref<1x64x256xf32, #tpu.memory_space<hbm>>
    %dma_wait3A_75 = tpu.memref_squeeze %dma_wait3A_74 : memref<1x64x256xf32, #tpu.memory_space<hbm>> -> memref<64x256xf32, #tpu.memory_space<hbm>>
    %dma_wait3A_76 = tpu.memref_slice %arg9[%dma_wait3A_67] : memref<2x!tpu.dma_semaphore, #tpu.memory_space<semaphore_mem>> -> memref<1x!tpu.dma_semaphore, #tpu.memory_space<semaphore_mem>>
    %dma_wait3A_77 = tpu.memref_squeeze %dma_wait3A_76 : memref<1x!tpu.dma_semaphore, #tpu.memory_space<semaphore_mem>> -> memref<!tpu.dma_semaphore, #tpu.memory_space<semaphore_mem>>
    %dma_wait3A_78 = arith.constant 0 : i32
    %dma_wait3A_79 = arith.constant 0 : i32
    %dma_wait3A_80 = tpu.memref_slice %arg4[%dma_wait3A_66, %dma_wait3A_78, %dma_wait3A_79] : memref<50x64x16384xf32, #tpu.memory_space<hbm>> -> memref<1x64x256xf32, #tpu.memory_space<hbm>>
    %dma_wait3A_81 = tpu.memref_squeeze %dma_wait3A_80 : memref<1x64x256xf32, #tpu.memory_space<hbm>> -> memref<64x256xf32, #tpu.memory_space<hbm>>
    %dma_wait3A_82 = arith.constant 0 : i32
    %dma_wait3A_83 = arith.constant 0 : i32
    %dma_wait3A_84 = tpu.memref_slice %arg7[%dma_wait3A_65, %dma_wait3A_82, %dma_wait3A_83] : memref<2x64x257xf32, #tpu.memory_space<vmem>> -> memref<1x64x256xf32, #tpu.memory_space<vmem>>
    %dma_wait3A_85 = tpu.memref_squeeze %dma_wait3A_84 : memref<1x64x256xf32, #tpu.memory_space<vmem>> -> memref<64x256xf32, #tpu.memory_space<vmem>>
    tpu.wait_dma2 semaphore(%dma_wait3A_77 : memref<!tpu.dma_semaphore, #tpu.memory_space<semaphore_mem>>) src(%dma_wait3A_85 : memref<64x256xf32, #tpu.memory_space<vmem>>) dst(%dma_wait3A_81 : memref<64x256xf32, #tpu.memory_space<hbm>>)
    return
  }
}

</mosaic_0001>

<sc_bundles>
// kernel: _embedding_lookup.3.cloned.1.call-start
scs
__scs_entry_jumppad:
0x0: {  	(pc) =	sbr.rel $0x88, $3  }
0x1: {  	(tag) =	ssettag $0x0;
	lr =	simm.s32 $0x1  }
0x2: {  	[smem:$0x3F9F] =	sst lr;
	_ =	strace $0xD0000000  }
0x3: {  	_ = 	snop  }
0x4: {  	_ = 	snop  }
0x5: {  	_ = 	snop  }
0x6: {  	_ = 	snop  }
0x7: {  	_ = 	snop  }
__scs_overlays_trampoline_lowered:
0x8: {  	[smem:$0x3FAE] =	sst s0  }
0x9: {  	[smem:$0x3FAF] =	sst s1  }
0xa: {  	[smem:$0x3FB0] =	sst s2  }
0xb: {  	[smem:$0x3FB1] =	sst s3  }
0xc: {  	[smem:$0x3FB2] =	sst s4  }
0xd: {  	[smem:$0x3FB3] =	sst s5  }
0xe: {  	[smem:$0x3FB4] =	sst s6  }
0xf: {  	[smem:$0x3FB5] =	sst s7  }
0x10: {  	[smem:$0x3FB6] =	sst s8  }
0x11: {  	[smem:$0x3FB7] =	sst s9;
	s0 =	simm.s32 @!p0 $0x0  }
0x12: {  	s1 =	sld [smem:$0x3F9D];
	s0 =	simm.s32 @p0 $0x1  }
0x13: {  	[smem:$0x3FB8] =	sst s0;
	s0 =	simm.s32 @!p1 $0x0  }
0x14: {  	s2 =	sld [smem:$0x3F9C];
	s0 =	simm.s32 @p1 $0x1  }
0x15: {  	[smem:$0x3FB9] =	sst s0;
	s0 =	simm.s32 @!p2 $0x0  }
0x16: {  	s3 =	sld [smem:$0x3FDB];
	s0 =	simm.s32 @p2 $0x1  }
0x17: {  	s4 =	simm.s32 $0x1BF5;
	[smem:$0x3FBB] =	sst s0  }
0x18: {  	s0 =	sld [smem:$0x3F9E];
	_ =	swait.ge [sflag:s4], $0x0  }
0x19: {  	s7 =	sld [smem:$0x3F9F]  }
0x1a: {  	s8 =	sadd.s32 $0xFFFFE003, lr  }
0x1b: {  	s9 =	sadd.s32 $0xFFFFFEF7, lr;
	s5 =	simm.s32 $0xFFFFFFFF;
	p2 =	slt.u32 s8, $0xFFFFF086  }
0x1c: {  	p1 =	slt.u32 s9, $0xF7A;
	s5 =	simm.s32 @!p2 $0x0  }
0x1d: {  	s5 =	simm.s32 @p1 $0x1;
	p0 =	seq.s32 s7, s2  }
0x1e: {  	s7 =	smul.u32 @!p0 $0xF7A, s2;
	p2 =	seq.s32 @!p0 s5, $0x0  }
0x1f: {  	s9 =	smul.u32 $0xF7A, s1;
	s8 =	simm.s32 @!p0 $0x1BF5;
	p2 =	por !p2, p0  }
0x20: {  	[sflag:s8] =	ssyncset.s32 @!p0 $0xFFFFF086;
	s6 =	sadd.s32 @!p0 s3, s7;
	s7 =	simm.s32 @!p0 $0x108  }
0x21: {  	s3 =	sadd.s32 s3, s9;
	s6 =	sadd.s32 @!p0 $0x88, s6;
	s7 =	simm.s32 @p2 $0x1082  }
0x22: {  	[simem:s7], [sflag:s8] =	dma.local @!p0 [hbm:s6], $0xF7A  }
0x23: {  	s9 =	sor.u32 $0xD0000000, s2;
	s6 =	simm.s32 $0x108;
	_ =	swait.ge @!p0 [sflag:s8], $0x0  }
0x24: {  	s3 =	sadd.s32 $0x88, s3;
	s6 =	simm.s32 @!p1 $0x1082;
	[sflag:s4] =	ssyncset.s32 $0xFFFFF086  }
0x25: {  	[simem:s6], [sflag:s4] =	dma.local [hbm:s3], $0xF7A  }
0x26: {  	[smem:$0x3F9F] =	sst s1;
	(tag) =	ssettag s2;
	_ =	strace s9  }
0x27: {  	s1 =	sld [smem:$0x3FAF]  }
0x28: {  	s2 =	sld [smem:$0x3FB0]  }
0x29: {  	s4 =	sld [smem:$0x3FB2]  }
0x2a: {  	p0 =	seq.s32 s5, $0x0;
	s5 =	sld [smem:$0x3FB3]  }
0x2b: {  	s6 =	sld [smem:$0x3FB4]  }
0x2c: {  	s7 =	sld [smem:$0x3FB5]  }
0x2d: {  	s3 =	simm.s32 $0x108;
	s8 =	sld [smem:$0x3FB6]  }
0x2e: {  	s3 =	simm.s32 @!p0 $0x1082;
	s9 =	sld [smem:$0x3FB7]  }
0x2f: {  	lr =	sadd.s32 s0, s3;
	s0 =	sld [smem:$0x3FAE]  }
0x30: {  	s3 =	sld [smem:$0x3FB1]  }
0x31: {  	[smem:$0x3FBA] =	sst s10  }
0x32: {  	s10 =	sld [smem:$0x3FB8];
	_ =	sdelay $0x3  }
0x33: {  	p0 =	seq.s32 s10, $0x1;
	s10 =	sld [smem:$0x3FBA];
	_ =	sdelay $0x3  }
0x34: {  	[smem:$0x3FBA] =	sst s10  }
0x35: {  	s10 =	sld [smem:$0x3FB9];
	_ =	sdelay $0x3  }
0x36: {  	p1 =	seq.s32 s10, $0x1;
	s10 =	sld [smem:$0x3FBA];
	_ =	sdelay $0x3  }
0x37: {  	[smem:$0x3FBA] =	sst s10  }
0x38: {  	s10 =	sld [smem:$0x3FBB]  }
0x39: {  	_ = 	snop;
	(pc) =	sbr.ind lr, $3  }
0x3a: {  	_ = 	snop  }
0x3b: {  	_ = 	snop  }
0x3c: {  	p2 =	seq.s32 s10, $0x1;
	s10 =	sld [smem:$0x3FBA]  }
0x3d: {  	_ =	shalt  }
0x3e: {  	_ =	shalt  }
0x3f: {  	_ =	shalt  }
0x40: {  	_ =	shalt  }
0x41: {  	_ =	shalt  }
0x42: {  	_ =	shalt  }
0x43: {  	_ =	shalt  }
0x44: {  	_ =	shalt  }
0x45: {  	_ =	shalt  }
0x46: {  	_ =	shalt  }
0x47: {  	_ =	shalt  }
0x48: {  	_ =	shalt  }
0x49: {  	_ =	shalt  }
0x4a: {  	_ =	shalt  }
0x4b: {  	_ =	shalt  }
0x4c: {  	_ =	shalt  }
0x4d: {  	_ =	shalt  }
0x4e: {  	_ =	shalt  }
0x4f: {  	_ =	shalt  }
0x50: {  	_ =	shalt  }
0x51: {  	_ =	shalt  }
0x52: {  	_ =	shalt  }
0x53: {  	_ =	shalt  }
0x54: {  	_ =	shalt  }
0x55: {  	_ =	shalt  }
0x56: {  	_ =	shalt  }
0x57: {  	_ =	shalt  }
0x58: {  	_ =	shalt  }
0x59: {  	_ =	shalt  }
0x5a: {  	_ =	shalt  }
0x5b: {  	_ =	shalt  }
0x5c: {  	_ =	shalt  }
0x5d: {  	_ =	shalt  }
0x5e: {  	_ =	shalt  }
0x5f: {  	_ =	shalt  }
0x60: {  	_ =	shalt  }
0x61: {  	_ =	shalt  }
0x62: {  	_ =	shalt  }
0x63: {  	_ =	shalt  }
0x64: {  	_ =	shalt  }
0x65: {  	_ =	shalt  }
0x66: {  	_ =	shalt  }
0x67: {  	_ =	shalt  }
0x68: {  	_ =	shalt  }
0x69: {  	_ =	shalt  }
0x6a: {  	_ =	shalt  }
0x6b: {  	_ =	shalt  }
0x6c: {  	_ =	shalt  }
0x6d: {  	_ =	shalt  }
0x6e: {  	_ =	shalt  }
0x6f: {  	_ =	shalt  }
0x70: {  	_ =	shalt  }
0x71: {  	_ =	shalt  }
0x72: {  	_ =	shalt  }
0x73: {  	_ =	shalt  }
0x74: {  	_ =	shalt  }
0x75: {  	_ =	shalt  }
0x76: {  	_ =	shalt  }
0x77: {  	_ =	shalt  }
0x78: {  	_ =	shalt  }
0x79: {  	_ =	shalt  }
0x7a: {  	_ =	shalt  }
0x7b: {  	_ =	shalt  }
0x7c: {  	_ =	shalt  }
0x7d: {  	_ =	shalt  }
0x7e: {  	_ =	shalt  }
0x7f: {  	_ =	shalt  }
0x80: {  	_ =	shalt  }
0x81: {  	_ =	shalt  }
0x82: {  	_ =	shalt  }
0x83: {  	_ =	shalt  }
0x84: {  	_ =	shalt  }
0x85: {  	_ =	shalt  }
0x86: {  	_ =	shalt  }
0x87: {  	_ =	shalt  }
.Lfunc_end0:
.L_simem_size_0:
called_computation_lowered:
.L_overlay_start_0:
0x88: {  	s2 =	sld [smem:$0x3FD9]  }
0x89: {  	s3 =	sld [smem:$0x3FFE];
	_ =	sdelay $0x1  }
0x8a: {  	s1 =	srdreg.scid  }
0x8b: {  	s0 =	sand.u32 $0x1, s1  }
0x8c: {  	s17 =	sshll.u32 s0, $0xA;
	s2 =	sadd.s32 s3, s2  }
0x8d: {  	s2 =	sadd.s32 s2, s17  }
0x8e: {  	[smem:$0x3FC6] =	sst s2  }
0x8f: {  	_ = 	snop  }
0x90: {  	s2 =	sld [smem:$0x3FD0];
	(tm) =	ssettm $0x1  }
0x91: {  	s18 =	sld [smem:$0x3FFB];
	_ =	sdelay $0x3  }
0x92: {  	_ =	strace s18  }
0x93: {  	s3 =	sld [smem:$0x3FFC];
	_ =	sdelay $0x3  }
0x94: {  	_ =	strace s3  }
0x95: {  	s3 =	sld [smem:$0x3FFD];
	_ =	sdelay $0x3  }
0x96: {  	_ =	strace s3  }
0x97: {  	_ =	strace $0x8FFFFFFF  }
0x98: {  	s19 =	sld [smem:$0x3FDB];
	_ =	sdelay $0x1  }
0x99: {  	s4 =	simm.s32 $_scs_section_size  }
0x9a: {  	s5 =	simm.s32 $_size__tile_overlayer_lowered;
	s6 =	simm.s32 $_tile_overlayer_lowered  }
0x9b: {  	s22 =	simm.s32 $0x1BFF;
	s21 =	sshll.u32 s6, $0x1;
	s3 =	sadd.s32 s4, s19  }
0x9c: {  	s7 =	simm.s32 $0x0;
	s20 =	sshll.u32 s5, $0x1;
	s5 =	sadd.s32 s21, s3  }
0x9d: {  	[timem:s7], [sflag:s22] =	dma.local [hbm:s5], s20  }
0x9e: {  	_ =	swait.ge [sflag:s22], s20  }
0x9f: {  	s4 =	ssub.s32 $0x0, s20;
	[sflag:s22] =	ssyncset.done $0x0  }
0xa0: {  	[sflag:s22] =	ssyncadd.s32 s4;
	_ =	sdelay $0x1  }
0xa1: {  	s23 =	simm.s32 $0x1B8B  }
0xa2: {  	_ =	swait.ge [sflag:s23], $0x1  }
0xa3: {  	[sflag:s23] =	ssyncset.done $0x0  }
0xa4: {  	s25 =	simm.s32 $0x1B8E;
	s24 =	sld [smem:$0x3FFE];
	[sflag:s23] =	ssyncadd.s32 $0xFFFFFFFF  }
0xa5: {  	s26 =	simm.s32 $execute0_lowered;
	[smem:$0x3FD2] =	sst s25  }
0xa6: {  	s5 =	sshll.u32 s26, $0x1;
	_ =	strace $0x80000046;
	[dreg:$0x1] =	wrdreg $0xFFFFFFFF  }
0xa7: {  	s28 =	simm.s32 $_size_execute0_lowered;
	s3 =	sadd.s32 s3, s5;
	[dreg:$0x0] =	wrdreg $0x0  }
0xa8: {  	s5 =	sshll.u32 s28, $0x1;
	[dreg:$0x2] =	wrdreg s3  }
0xa9: {  	[dreg:$0x3] =	wrdreg s5  }
0xaa: {  	[dreg:$0x4] =	wrdreg $0xC0  }
0xab: {  	_ =	task [dreg:s7], $0x5FFFF  }
0xac: {  	[dreg:$0x1] =	wrdreg $0xFFFFFFFF  }
0xad: {  	[dreg:$0x0] =	wrdreg $0x60  }
0xae: {  	[dreg:$0x2] =	wrdreg s2  }
0xaf: {  	[dreg:$0x3] =	wrdreg s24  }
0xb0: {  	[dreg:$0x4] =	wrdreg $0x9  }
0xb1: {  	_ =	task.clear_ibuf [dreg:s7], $0x5FFFF;
	_ =	strace $0x90000046  }
0xb2: {  	s29 =	simm.s32 $0x9;
	_ =	strace $0x80000048  }
0xb3: {  	_ =	swait.ge [sflag:s29], $0x1  }
0xb4: {  	[sflag:s29] =	ssyncadd.s32 $0xFFFFFFFF  }
0xb5: {  	_ =	strace $0x90000048  }
0xb6: {  	_ =	sfence  }
0xb7: {  	s30 =	sld [smem:$0x0];
	_ =	sdelay $0x2  }
0xb8: {  	s31 =	sshll.u32 s1, $0xD;
	s1 =	sshrl.u32 s1, $0x2  }
0xb9: {  	s3 =	sand.u32 $0x4000, s31;
	s1 =	sadd.s32 s1, s30  }
0xba: {  	s0 =	sor.u32 s3, s0;
	s1 =	sshll.u32 s1, $0x11  }
0xbb: {  	s0 =	sor.u32 s1, s0  }
0xbc: {  	s0 =	sadd.s32 $0x8F2B, s0  }
0xbd: {  	[sflag:s0] =	ssyncadd.remote.s32 $0x1  }
0xbe: {  	_ =	sfence.sel $0xFFFF  }
0xbf: {  	[dreg:$0x0] =	wrdreg $0xFFFFFFFF;
	(pc) =	sbr.abs _section_cstart, $3  }
0xc0: {  	[dreg:$0x1] =	wrdreg $0xFFFFFFFF  }
0xc1: {  	_ =	task.clear_ibuf [dreg:s7], $0x2FFFF;
	_ =	strace $0x9FFFFFFF  }
0xc2: {  	(tm) =	ssettm $0x7FFFFFFF  }
0xc3: {  	_ =	shalt  }
tec
execute0_lowered:
.L_overlay_start_1:
0x0: {  	(tag) =	ssettag $0x1  }
0x1: {  	s6 =	rddreg [dreg:$0x0]  }
0x2: {  	s5 =	rddreg [dreg:$0x1]  }
0x3: {  	s0 =	rddreg [dreg:$0x2];
	s2 =	simm.s32 $0x0;
	s3 =	srdreg.scid  }
0x4: {  	s1 =	stileid.u32;
	s9 =	simm.s32 $0x4000;
	s10 =	simm.s32 $0x5  }
0x5: {  	s11 =	simm.s32 $0x100;
	s12 =	simm.s32 $0x6400;
	s13 =	simm.s32 $0xA400  }
0x6: {  	s14 =	simm.s32 $0x3;
	s15 =	simm.s32 $0x4;
	s16 =	simm.s32 $0x0  }
0x7: {  	[smem:$0x7FF] =	sst s2;
	s3 =	sand.u32 $0x1, s3;
	s4 =	sshll.u32 s1, $0xA  }
0x8: {  	v0 =	vlaneseq.u32;
	s7 =	ssub.s32 $0x2, s3;
	s3 =	sshll.u32 s3, $0x9;
	_ =	strace $0x80000047  }
0x9: {  	v0 =	vmul.u32 $0x108, v0;
	s8 =	sshrl.u32 s7, $0x1;
	s3 =	sor.u32 s3, s4;
	s4 =	sadd.s32 $0xF42A00, s5  }
0xa: {  	s5 =	sadd.s32 $0x600, s5;
	s7 =	ssub.s32 s7, s8;
	s31 =	sshrl.u32 s3, $0x3  }
0xb: {  	v1 =	vadd.s32 $0x1080, v0;
	v2 =	vadd.s32 $0x2100, v0;
	v3 =	vadd.s32 $0x3180, v0;
	s8 =	simm.s32 $0x200;
	s6 =	sadd.s32 s6, s31;
	s7 =	smax.u32 s7, $0x1  }
.LBB2_1:
0xc: {  	[tilespmem:s2], [sflag:$0x5] =	stream.strided.gather [hbm4b:s6+s8], $0x6400, s9, s8, $0x38;
	[tilespmem:$0x16800] =	vst v63  }
0xd: {  	_ =	swait.ge [sflag:s10], $0x6400  }
0xe: {  	[sflag:s10] =	ssyncset.done $0x0  }
0xf: {  	[sflag:s10] =	ssyncadd.s32 $0xFFFF9C00  }
0x10: {  	[tilespmem:s12], [sflag:$0x1] =	stream.indirect.gather [hbm4b:s4+s11], $0x40, s2, s11, $0xb8;
	[tilespmem:$0x16800] =	vst v63  }
0x11: {  	p0 =	por $0x0, $0x0;
	s17 =	simm.s32 $0x0  }
0x12: {  	[tilespmem:s13], [sflag:$0x2] =	stream.indirect.gather [hbm4b:s4+s11], $0x40, s11, s11, $0xb8;
	[tilespmem:$0x16800] =	vst v63  }
.LBB2_2:
0x13: {  	s19 =	sand.u32 $0x1, s17  }
0x14: {  	s18 =	sadd.s32 $0x1, s19  }
0x15: {  	_ =	swait.ge [sflag:s18], $0x4000  }
0x16: {  	p1 =	slt.u32 s17, $0x2;
	[sflag:s18] =	ssyncset.done $0x0  }
0x17: {  	s21 =	simm.s32 $0x1;
	s20 =	sadd.s32 @!p1 $0x3, s19;
	[sflag:s18] =	ssyncadd.s32 $0xFFFFC000  }
0x18: {  	s22 =	simm.s32 $0x1;
	s21 =	simm.s32 @!p0 $0x0;
	_ =	swait.ge @!p1 [sflag:s20], $0x4000  }
0x19: {  	s24 =	simm.s32 $0x0;
	v4 =	vmov s22;
	s23 =	sshll.u32 s21, $0xE;
	[sflag:s20] =	ssyncset.done @!p1 $0x0  }
0x1a: {  	v5 =	vmov s24;
	v9 =	vand.u32 $0xFF, v4;
	s22 =	sadd.s32 $0x6440, s23;
	[sflag:s20] =	ssyncadd.s32 @!p1 $0xFFFFC000  }
0x1b: {  	v11 =	vand.u32 $0xFE, v5;
	v5 =	vadd.s32 v0, v9;
	v4 =	vld [tilespmem:s22+$0x0]  }
0x1c: {  	s23 =	smul.u32 $0x10800, s19;
	v7 =	vadd.s32 v0, v11;
	v6 =	vld [tilespmem:s22+$0xFFFFFFC0];
	_ =	sdelay $0x1  }
0x1d: {  	s20 =	sshrl.u32 s23, $0x2  }
0x1e: {  	s20 =	sadd.s32 $0xE400, s20  }
0x1f: {  	s24 =	simm.s32 $0x3;
	[tilespmem:v5+s20+$0x0] =	vst.idx.msk $0xffff, v4  }
0x20: {  	s25 =	simm.s32 $0x2;
	v4 =	vmov s24;
	[tilespmem:v7+s20+$0x0] =	vst.idx.msk $0xffff, v6;
	v7 =	vadd.s32 v1, v9;
	v6 =	vld [tilespmem:s22+$0x10]  }
0x21: {  	v10 =	vadd.s32 v1, v11;
	s23 =	sadd.s32 $0x80, s22;
	v5 =	vmov s25;
	v4 =	vand.u32 $0xFF, v4;
	v8 =	vld [tilespmem:s22+$0xFFFFFFD0]  }
0x22: {  	v12 =	vld [tilespmem:s23+$0x0];
	v5 =	vand.u32 $0xFE, v5;
	v13 =	vadd.s32 v0, v4  }
0x23: {  	v14 =	vld [tilespmem:s23+$0xFFFFFFC0];
	v15 =	vadd.s32 v0, v5;
	_ =	sdelay $0x1  }
0x24: {  	[tilespmem:v7+s20+$0x0] =	vst.idx.msk $0xffff, v6  }
0x25: {  	[tilespmem:v10+s20+$0x0] =	vst.idx.msk $0xffff, v8;
	v8 =	vadd.s32 v2, v9;
	v7 =	vld [tilespmem:s22+$0x20]  }
0x26: {  	[tilespmem:v13+s20+$0x0] =	vst.idx.msk $0xffff, v12;
	v10 =	vld [tilespmem:s22+$0xFFFFFFE0];
	v12 =	vadd.s32 v2, v11  }
0x27: {  	s26 =	simm.s32 $0x5;
	[tilespmem:v15+s20+$0x0] =	vst.idx.msk $0xffff, v14;
	v15 =	vadd.s32 v1, v4;
	v13 =	vld [tilespmem:s23+$0x10]  }
0x28: {  	s30 =	simm.s32 $0x4;
	v6 =	vmov s26  }
0x29: {  	v17 =	vmov s30;
	s25 =	sadd.s32 $0x80, s23;
	v18 =	vadd.s32 v1, v5;
	v6 =	vand.u32 $0xFF, v6;
	v16 =	vld [tilespmem:s23+$0xFFFFFFD0]  }
0x2a: {  	v19 =	vld [tilespmem:s25+$0x0];
	v20 =	vadd.s32 v0, v6;
	[tilespmem:v8+s20+$0x0] =	vst.idx.msk $0xffff, v7;
	v7 =	vand.u32 $0xFE, v17  }
0x2b: {  	v14 =	vld [tilespmem:s25+$0xFFFFFFC0];
	[tilespmem:v12+s20+$0x0] =	vst.idx.msk $0xffff, v10;
	v17 =	vadd.s32 v0, v7  }
0x2c: {  	s21 =	smul.u32 $0x10800, s21;
	v8 =	vld [tilespmem:s22+$0x30];
	[tilespmem:v15+s20+$0x0] =	vst.idx.msk $0xffff, v13;
	v15 =	vadd.s32 v3, v9  }
0x2d: {  	s28 =	simm.s32 $0x6;
	s29 =	simm.s32 $0x7;
	v12 =	vadd.s32 v3, v11;
	v10 =	vld [tilespmem:s22+$0xFFFFFFF0]  }
0x2e: {  	s31 =	sshll.u32 s19, $0xE;
	s21 =	sshrl.u32 s21, $0x2;
	s24 =	smov.u32 s25;
	v11 =	vadd.s32 v2, v4;
	[tilespmem:v18+s20+$0x0] =	vst.idx.msk $0xffff, v16;
	v9 =	vld [tilespmem:s23+$0x20]  }
0x2f: {  	s26 =	simm.s32 $0x8;
	s22 =	sadd.s32 $0xE400, s21;
	s21 =	sadd.s32 $0x6400, s31;
	[tilespmem:v20+s20+$0x0] =	vst.idx.msk $0xffff, v19;
	v16 =	vadd.s32 v2, v5;
	v13 =	vld [tilespmem:s23+$0xFFFFFFE0]  }
.LBB2_3:
0x30: {  	p1 =	slt.u32 s26, $0xFE;
	v18 =	vmov s29;
	[tilespmem:v17+s20+$0x0] =	vst.idx.msk $0xffff, v14;
	v19 =	vld [tilespmem:s25+$0x10];
	v20 =	vadd.s32 v1, v6  }
0x31: {  	v14 =	vmov s28;
	v22 =	vadd.s32 v1, v7;
	s25 =	sadd.s32 $0x80, s25;
	s28 =	smov.u32 s26;
	v18 =	vand.u32 $0xFF, v18;
	v21 =	vld [tilespmem:s24+$0xFFFFFFD0];
	[tilespmem:v15+s20+$0x0] =	vst.idx.msk $0xffff, v8  }
0x32: {  	v23 =	vand.u32 $0xFE, v14;
	v24 =	vld [tilespmem:s25+$0x0];
	v25 =	vadd.s32 v0, v18;
	[tilespmem:v12+s20+$0x0] =	vst.idx.msk $0xffff, v10  }
.Ltmp0:
0x33: {  	v17 =	vadd.s32 v0, v23;
	v14 =	vld [tilespmem:s25+$0xFFFFFFC0];
	[tilespmem:v11+s20+$0x0] =	vst.idx.msk $0xffff, v9;
	(pc) =	sbr.rel @p1 .LBB2_3-.Ltmp0, $4  }
0x34: {  	v15 =	vadd.s32 v3, v4;
	v4 =	vmov v6;
	v6 =	vmov v18;
	[tilespmem:v16+s20+$0x0] =	vst.idx.msk $0xffff, v13;
	v8 =	vld [tilespmem:s23+$0x30]  }
0x35: {  	v12 =	vadd.s32 v3, v5;
	v5 =	vmov v7;
	v7 =	vmov v23;
	[tilespmem:v20+s20+$0x0] =	vst.idx.msk $0xffff, v19;
	v10 =	vld [tilespmem:s23+$0xFFFFFFF0];
	s23 =	smov.u32 s24;
	s24 =	smov.u32 s25  }
0x36: {  	v11 =	vadd.s32 v2, v4;
	[tilespmem:v22+s20+$0x0] =	vst.idx.msk $0xffff, v21;
	v9 =	vld [tilespmem:s23+$0x20]  }
0x37: {  	s26 =	sadd.s32 $0x2, s26;
	s29 =	sadd.s32 $0x1, s28;
	v16 =	vadd.s32 v2, v5;
	[tilespmem:v25+s20+$0x0] =	vst.idx.msk $0xffff, v24;
	v13 =	vld [tilespmem:s23+$0xFFFFFFE0]  }
0x38: {  	v18 =	vmov s29  }
0x39: {  	v19 =	vmov s28;
	s26 =	sadd.s32 $0x80, s25;
	v18 =	vand.u32 $0xFF, v18  }
0x3a: {  	v19 =	vand.u32 $0xFE, v19;
	v20 =	vld [tilespmem:s26+$0x0];
	v21 =	vadd.s32 v0, v18  }
0x3b: {  	v22 =	vld [tilespmem:s26+$0xFFFFFFC0];
	v23 =	vadd.s32 v0, v19;
	_ =	sdelay $0x2  }
0x3c: {  	[tilespmem:v17+s20+$0x0] =	vst.idx.msk $0xffff, v14;
	v42 =	vld [tilespmem:s25+$0x10];
	v43 =	vadd.s32 v1, v6  }
0x3d: {  	v45 =	vadd.s32 v1, v7;
	v44 =	vld [tilespmem:s24+$0xFFFFFFD0];
	[tilespmem:v21+s20+$0x0] =	vst.idx.msk $0xffff, v20  }
0x3e: {  	v47 =	vadd.s32 v1, v18;
	[tilespmem:v23+s20+$0x0] =	vst.idx.msk $0xffff, v22;
	v46 =	vld [tilespmem:s26+$0x10]  }
0x3f: {  	[tilespmem:v15+s20+$0x0] =	vst.idx.msk $0xffff, v8;
	v49 =	vadd.s32 v1, v19;
	v48 =	vld [tilespmem:s26+$0xFFFFFFD0]  }
0x40: {  	[tilespmem:v12+s20+$0x0] =	vst.idx.msk $0xffff, v10  }
0x41: {  	[tilespmem:v43+s20+$0x0] =	vst.idx.msk $0xffff, v42  }
0x42: {  	v51 =	vadd.s32 v2, v6;
	[tilespmem:v45+s20+$0x0] =	vst.idx.msk $0xffff, v44;
	v50 =	vld [tilespmem:s24+$0x20]  }
0x43: {  	v53 =	vadd.s32 v2, v7;
	v52 =	vld [tilespmem:s24+$0xFFFFFFE0];
	[tilespmem:v47+s20+$0x0] =	vst.idx.msk $0xffff, v46  }
0x44: {  	v55 =	vadd.s32 v2, v18;
	[tilespmem:v49+s20+$0x0] =	vst.idx.msk $0xffff, v48;
	v54 =	vld [tilespmem:s26+$0x20]  }
0x45: {  	v57 =	vadd.s32 v2, v19;
	[tilespmem:v11+s20+$0x0] =	vst.idx.msk $0xffff, v9;
	v56 =	vld [tilespmem:s26+$0xFFFFFFE0]  }
0x46: {  	v4 =	vadd.s32 v3, v4;
	[tilespmem:v16+s20+$0x0] =	vst.idx.msk $0xffff, v13;
	v58 =	vld [tilespmem:s23+$0x30]  }
0x47: {  	v5 =	vadd.s32 v3, v5;
	v16 =	vld [tilespmem:s23+$0xFFFFFFF0];
	[tilespmem:v51+s20+$0x0] =	vst.idx.msk $0xffff, v50  }
0x48: {  	v59 =	vadd.s32 v3, v6;
	[tilespmem:v53+s20+$0x0] =	vst.idx.msk $0xffff, v52;
	v10 =	vld [tilespmem:s24+$0x30]  }
0x49: {  	v61 =	vadd.s32 v3, v7;
	v60 =	vld [tilespmem:s24+$0xFFFFFFF0];
	[tilespmem:v55+s20+$0x0] =	vst.idx.msk $0xffff, v54  }
0x4a: {  	v62 =	vadd.s32 v3, v18;
	[tilespmem:v57+s20+$0x0] =	vst.idx.msk $0xffff, v56;
	v8 =	vld [tilespmem:s26+$0x30]  }
0x4b: {  	s29 =	sshll.u32 s17, $0x13;
	v63 =	vadd.s32 v3, v19;
	[tilespmem:v4+s20+$0x0] =	vst.idx.msk $0xffff, v58;
	v4 =	vld [tilespmem:s26+$0xFFFFFFF0]  }
0x4c: {  	s30 =	sshll.u32 s19, $0x8;
	s23 =	sand.u32 $0x3F00000, s29;
	[tilespmem:v5+s20+$0x0] =	vst.idx.msk $0xffff, v16  }
0x4d: {  	s23 =	sor.u32 s23, s30;
	[tilespmem:v59+s20+$0x0] =	vst.idx.msk $0xffff, v10  }
0x4e: {  	s23 =	sor.u32 s3, s23;
	[tilespmem:v61+s20+$0x0] =	vst.idx.msk $0xffff, v60  }
0x4f: {  	s19 =	sadd.s32 $0x3, s19;
	s23 =	sshrl.u32 s23, $0x3;
	[tilespmem:v62+s20+$0x0] =	vst.idx.msk $0xffff, v8  }
0x50: {  	s31 =	sadd.s32 $0x0, s22;
	[tilespmem:v63+s20+$0x0] =	vst.idx.msk $0xffff, v4;
	s20 =	sadd.s32 s5, s23;
	s23 =	simm.s32 $0x420  }
0x51: {  	[hbm4b:s20+s2] =	stream.linear.scatter [tilespmem:s31], [sflag:s19], $0x100, $0x38;
	[tilespmem:$0x16800] =	vst v63  }
.LBB2_5:
0x52: {  	p1 =	sne.s32 s23, $0x103E0  }
.Ltmp1:
0x53: {  	_ = 	snop;
	(pc) =	sbr.rel @p1 .LBB2_5-.Ltmp1, $4  }
0x54: {  	_ = 	snop  }
0x55: {  	s24 =	sshra.s32 s23, $0x2;
	s23 =	sadd.s32 $0x420, s23  }
0x56: {  	s20 =	sadd.s32 $0x800, s20;
	s24 =	sadd.s32 s24, s22  }
0x57: {  	[hbm4b:s20+s2] =	stream.linear.scatter [tilespmem:s24], [sflag:s19], $0x100, $0x38;
	[tilespmem:$0x16800] =	vst v63  }
0x58: {  	p1 =	sgt.u32 s17, $0x61  }
0x59: {  	s19 =	sshll.u32 @!p1 s17, $0xA  }
0x5a: {  	s19 =	sadd.s32 @!p1 $0x800, s19  }
0x5b: {  	s20 =	sshll.u32 @!p1 s17, $0x8;
	s19 =	sand.u32 @!p1 $0x3F800, s19  }
0x5c: {  	s20 =	sand.u32 @!p1 $0x100, s20;
	s19 =	sshrl.u32 @!p1 s19, $0x2  }
0x5d: {  	s17 =	sadd.s32 $0x1, s17;
	s19 =	sor.u32 @!p1 s20, s19;
	s20 =	simm.s32 @!p1 $0x100  }
0x5e: {  	[tilespmem:s21], [sflag:s18] =	stream.indirect.gather @!p1 [hbm4b:s4+s20], $0x40, s19, s20, $0xb8;
	[tilespmem:$0x16800] =	vst v63  }
0x5f: {  	p1 =	sne.s32 s17, $0x64  }
.Ltmp2:
0x60: {  	_ = 	snop;
	(pc) =	sbr.rel @p1 .LBB2_2-.Ltmp2, $2  }
0x61: {  	_ =	sdelay $0x2  }
0x62: {  	p0 =	por !p0, !p0  }
0x63: {  	s16 =	sadd.s32 $0x1, s16  }
0x64: {  	_ =	swait.ge [sflag:s14], $0x4000;
	p0 =	sne.s32 s16, s7  }
.Ltmp3:
0x65: {  	[sflag:s14] =	ssyncset.done $0x0;
	(pc) =	sbr.rel @p0 .LBB2_1-.Ltmp3, $4  }
0x66: {  	[sflag:s14] =	ssyncadd.s32 $0xFFFFC000  }
0x67: {  	_ =	swait.ge [sflag:s15], $0x4000  }
0x68: {  	[sflag:s15] =	ssyncset.done $0x0  }
0x69: {  	[sflag:s15] =	ssyncadd.s32 $0xFFFFC000  }
0x6a: {  	_ =	sfence.sel $0x180000  }
0x6b: {  	[bflag:$0x0] =	sbarrier.arrive $0xFFFF  }
0x6c: {  	p0 =	sne.s32 s1, $0x0;
	_ =	strace $0x90000047  }
0x6d: {  	s0 =	sadd.s32 @!p0 $0x100000, s0;
	[bflag:$0x2] =	sbarrier.arrive $0xFFFF  }
0x6e: {  	[sflag:s0] =	ssyncadd.tile.s32 @!p0 $0x1;
	_ =	shalt  }
.Lfunc_end2:
_tile_overlayer_lowered:
.L_overlay_start_2:
0x6f: {  	(tag) =	ssettag $0x2  }
0x70: {  	s0 =	rddreg [dreg:$0x0];
	s2 =	stileid.u32  }
0x71: {  	s1 =	rddreg [dreg:$0x1];
	p0 =	sne.s32 s2, $0x0  }
0x72: {  	s3 =	rddreg [dreg:$0x2];
	[bflag:$0x3] =	sbarrier.arrive $0xFFFF;
	s2 =	simm.s32 @!p0 $0x1C06  }
0x73: {  	[timem:s3], [sflag:s2] =	dma.local @!p0 [hbm:s0], s1  }
0x74: {  	s0 =	simm.s32 @!p0 $0x6  }
0x75: {  	_ =	swait.ge @!p0 [sflag:s0], s1  }
0x76: {  	s1 =	ssub.s32 @!p0 $0x0, s1;
	[sflag:s0] =	ssyncset.done @!p0 $0x0  }
0x77: {  	[sflag:s0] =	ssyncadd.s32 @!p0 s1  }
0x78: {  	[bflag:$0x3] =	sbarrier.arrive $0xFFFF  }
0x79: {  	_ =	shalt  }

</sc_bundles>
